<compile_context>
chip_gen: v7x
topology: tpu7x:2x2x1
jax: 0.10.2.dev20260603
libtpu: 0.0.44.dev20260713+nightly
codegen_flags: <defaults>
</compile_context>

<pallas_src>
import functools

import jax
import jax.numpy as jnp
from jax import lax
from jax.experimental import pallas as pl
from jax.experimental.pallas import tpu as pltpu
from jax.experimental.pallas import tpu_sc as plsc

def _mlp_body(qf_ref, b_ref, w1_ref, b1_ref, w2_ref, b2_ref, out_ref):
    xp = jnp.dot(qf_ref[...], b_ref[...], preferred_element_type=jnp.float32)
    ff = jnp.concatenate([jnp.sin(xp), jnp.cos(xp)], axis=1)
    h = jnp.dot(ff, w1_ref[...], preferred_element_type=jnp.float32) + b1_ref[...]
    h = jnp.maximum(h, 0.0)
    qv = jnp.dot(h, w2_ref[...], preferred_element_type=jnp.float32) + b2_ref[...]
    qn = jnp.maximum(jnp.sqrt(jnp.sum(qv * qv, axis=1, keepdims=True)), 1e-8)
    qhat = qv / qn
    n = qhat.shape[0]
    out_ref[...] = jnp.concatenate(
        [qhat,
         jnp.full((n, 1), 2.0, jnp.float32),
         jnp.zeros((n, 7), jnp.float32)],
        axis=1,
    ).astype(jnp.bfloat16)


def _run_mlp(qf, b_mat, w1, b1, w2, b2):
    n = qf.shape[0]
    return pl.pallas_call(
        _mlp_body,
        out_shape=jax.ShapeDtypeStruct((n, 72), jnp.bfloat16),
    )(qf, b_mat, w1, b1.reshape(1, -1), w2, b2.reshape(1, -1))


_LOWBITS = 0xFFF


def _pack_max(sim2, inv):
    bits = lax.bitcast_convert_type(sim2, jnp.int32)
    packed = (bits & jnp.int32(~_LOWBITS)) | inv
    packed_f = lax.bitcast_convert_type(packed, jnp.float32)
    return jnp.max(packed_f, axis=1, keepdims=True)


def _scan_body(qhat_ref, bank_ref, idx_ref, idx2_ref, mask_ref,
               best_pack, best_idx):
    i = pl.program_id(0)
    blk2, d2 = bank_ref.shape
    d = d2 // 2
    blk = 2 * blk2
    b = bank_ref[...]

    def half(lo):
        bh = b[:, lo:lo + d]
        rinv = jnp.minimum(
            lax.rsqrt(jnp.sum(bh * bh, axis=1, keepdims=True)), 1e8)
        return jnp.concatenate(
            [bh * rinv,
             jnp.ones((blk2, 1), jnp.float32),
             jnp.zeros((blk2, 7), jnp.float32)],
            axis=1,
        ).astype(jnp.bfloat16)

    q = qhat_ref[...]
    nt = (((1,), (1,)), ((), ()))
    sim2_e = lax.dot_general(q, half(0), nt, preferred_element_type=jnp.float32)
    sim2_o = lax.dot_general(q, half(d), nt, preferred_element_type=jnp.float32)
    iota2 = 2 * lax.broadcasted_iota(jnp.int32, (1, blk2), 1)
    rp_e = _pack_max(sim2_e, (blk - 1) - iota2)
    rp_o = _pack_max(sim2_o, (blk - 2) - iota2)
    rowpack = lax.bitcast_convert_type(
        jnp.maximum(rp_e, rp_o), jnp.int32)
    col = (blk - 1) - (rowpack & _LOWBITS)
    gidx = i * blk + col

    @pl.when(i == 0)
    def _():
        best_pack[...] = rowpack
        best_idx[...] = gidx

    @pl.when(i > 0)
    def _():
        upd = rowpack > best_pack[...]
        best_pack[...] = jnp.where(upd, rowpack, best_pack[...])
        best_idx[...] = jnp.where(upd, gidx, best_idx[...])

    @pl.when(i == pl.num_programs(0) - 1)
    def _():
        val = lax.bitcast_convert_type(
            best_pack[...] & jnp.int32(~_LOWBITS), jnp.float32) - 2.0
        idx_ref[...] = best_idx[...]
        idx2_ref[...] = best_idx[...] >> 1
        mask_ref[...] = jnp.where(val < 0.7, 0.0, 1.0)


def _run_scan(qhat_e, bank_pairs, blk):
    n = qhat_e.shape[0]
    m2, d2 = bank_pairs.shape
    steps = (2 * m2) // blk
    return pl.pallas_call(
        _scan_body,
        grid=(steps,),
        in_specs=[
            pl.BlockSpec((n, 72), lambda i: (0, 0)),
            pl.BlockSpec((blk // 2, d2), lambda i: (i, 0)),
        ],
        out_specs=[
            pl.BlockSpec((n, 1), lambda i: (0, 0)),
            pl.BlockSpec((n, 1), lambda i: (0, 0)),
            pl.BlockSpec((n, 1), lambda i: (0, 0)),
        ],
        out_shape=[
            jax.ShapeDtypeStruct((n, 1), jnp.int32),
            jax.ShapeDtypeStruct((n, 1), jnp.int32),
            jax.ShapeDtypeStruct((n, 1), jnp.float32),
        ],
        scratch_shapes=[
            pltpu.VMEM((n, 1), jnp.int32),
            pltpu.VMEM((n, 1), jnp.int32),
        ],
    )(qhat_e, bank_pairs)


@functools.lru_cache(maxsize=None)
def _make_gather(m2, d, n):
    info = plsc.get_sparse_core_info()
    nw = info.num_cores * info.num_subcores
    lanes = info.num_lanes
    bpw = n // nw
    mesh = plsc.VectorSubcoreMesh(core_axis_name="c", subcore_axis_name="s")

    @functools.partial(
        pl.kernel,
        mesh=mesh,
        out_type=jax.ShapeDtypeStruct((n, 2 * d), jnp.float32),
        scratch_types=[
            pltpu.VMEM((bpw,), jnp.int32),
            pltpu.VMEM((bpw, 2 * d), jnp.float32),
            pltpu.SemaphoreType.DMA,
        ],
    )
    def gather(table_hbm, idx2_hbm, out_hbm, idx2_v, pair_v, sem):
        wid = lax.axis_index("s") * info.num_cores + lax.axis_index("c")
        base = wid * bpw
        pltpu.sync_copy(idx2_hbm.at[pl.ds(base, bpw)], idx2_v)
        pltpu.async_copy(table_hbm.at[idx2_v], pair_v, sem).wait()
        pltpu.sync_copy(pair_v, out_hbm.at[pl.ds(base, bpw)])

    return gather


def _epilogue_body(pairs_ref, idx_ref, mask_ref, out_ref):
    d = out_ref.shape[1]
    par = (idx_ref[...] & 1) == 1
    half = jnp.where(par, pairs_ref[:, d:2 * d], pairs_ref[:, 0:d])
    out_ref[...] = half * mask_ref[...]


def _run_epilogue(pairs, idx, mask):
    n, d2 = pairs.shape
    return pl.pallas_call(
        _epilogue_body,
        out_shape=jax.ShapeDtypeStruct((n, d2 // 2), jnp.float32),
    )(pairs, idx, mask)


def kernel(query_features, memory_bank, B_mat, W1, b1, W2, b2):
    m, d = memory_bank.shape
    n = query_features.shape[0]
    qhat_e = _run_mlp(query_features, B_mat, W1, b1, W2, b2)
    bank_pairs = memory_bank.reshape(m // 2, 2 * d)
    idx, idx2, maskf = _run_scan(qhat_e, bank_pairs, 4000)
    pairs = _make_gather(m // 2, d, n)(bank_pairs, idx2.reshape(-1))
    return _run_epilogue(pairs, idx, maskf)

# --- scband reference (transcript-rebuilt; emitter-appended) ---
"""Pipeline reference for scband-immune-memory-module-30245159698913 (READ-ONLY COPY).

The authoritative reference and input builder live on the scoring server;
editing this copy changes nothing except your own understanding.
"""

import jax, jax.numpy as jnp
import numpy as np


def setup_inputs(seed: int = 0) -> dict:
    key = jax.random.key(seed)
    ks = jax.random.split(key, 6)
    input_dim, fourier_dim, memory_dim = 512, 10, 64
    Bq, M = 1024, 100000
    query_features = jax.random.normal(ks[0], (Bq, input_dim), dtype=jnp.float32)
    memory_bank = jax.random.normal(ks[1], (M, memory_dim), dtype=jnp.float32)
    B_mat = jax.random.normal(ks[2], (input_dim, fourier_dim), dtype=jnp.float32)
    W1 = jax.random.normal(ks[3], (2 * fourier_dim, 512), dtype=jnp.float32) * (1.0 / np.sqrt(2 * fourier_dim))
    b1 = jnp.zeros((512,), dtype=jnp.float32)
    W2 = jax.random.normal(ks[4], (512, memory_dim), dtype=jnp.float32) * (1.0 / np.sqrt(512.0))
    b2 = jnp.zeros((memory_dim,), dtype=jnp.float32)
    return {"query_features": query_features, "memory_bank": memory_bank, "B_mat": B_mat, "W1": W1, "b1": b1, "W2": W2, "b2": b2}


def reference(query_features, memory_bank, B_mat, W1, b1, W2, b2):
    similarity_threshold = 0.7
    # fourier_feature (eq. 8)
    x_proj = query_features @ B_mat
    ff = jnp.concatenate([jnp.sin(x_proj), jnp.cos(x_proj)], axis=-1)
    # memory_net: Linear -> ReLU -> Linear
    h = jax.nn.relu(ff @ W1 + b1)
    query_vectors = h @ W2 + b2
    # cosine similarity between every query vector and every memory slot
    qn = jnp.clip(jnp.linalg.norm(query_vectors, axis=-1, keepdims=True), 1e-8, None)
    mn = jnp.clip(jnp.linalg.norm(memory_bank, axis=-1, keepdims=True), 1e-8, None)
    sim = (query_vectors @ memory_bank.T) / (qn * mn.T)
    max_sim = jnp.max(sim, axis=1)
    max_idx = jnp.argmax(sim, axis=1)
    # gather the most similar memory rows
    relevant_memory = jnp.take(memory_bank, max_idx, axis=0)
    # zero out rows whose best similarity is below the threshold
    relevant_memory = jnp.where((max_sim < similarity_threshold)[:, None], 0.0, relevant_memory)
    return relevant_memory

if __name__ == "__main__":
    import jax
    _d = setup_inputs()
    print(jax.jit(kernel)(*tuple(_d.values())))

</pallas_src>

<mosaic_0001>
#map = affine_map<(d0, d1) -> (0, 0)>
#map1 = affine_map<(d0, d1) -> (0)>
module attributes {stable_mosaic.version = 14 : i64} {
  func.func @gather(%arg0: i32, %arg1: i32, %arg2: memref<50000x128xf32, #tpu.memory_space<hbm>>, %arg3: memref<1024xi32, #tpu.memory_space<hbm>>, %arg4: memref<1024x128xf32, #tpu.memory_space<hbm>>, %arg5: memref<32xi32, #tpu.memory_space<vmem>>, %arg6: memref<32x128xf32, #tpu.memory_space<vmem>>, %arg7: memref<!tpu.dma_semaphore, #tpu.memory_space<semaphore_mem>>) attributes {dimension_semantics = [#tpu.dimension_semantics<core_parallel>, #tpu.dimension_semantics<subcore_parallel>], iteration_bounds = array<i64: 2, 16>, scalar_prefetch = 0 : i64, scratch_operands = 3 : i64, tpu.core_type = #tpu.core_type<sc_vector_subcore>, window_params = [{transform_indices = #map}, {transform_indices = #map1}, {transform_indices = #map}]} {
    %mul3A = arith.constant 2 : i32
    %mul3A_0 = arith.muli %arg1, %mul3A : i32
    %add3A = arith.addi %mul3A_0, %arg0 : i32
    %mul3A_1 = arith.constant 32 : i32
    %mul3A_2 = arith.muli %add3A, %mul3A_1 : i32
    "tpu.region"() ({
      %run_scoped3A = tpu.sem_alloc : memref<!tpu.dma_semaphore, #tpu.memory_space<semaphore_mem>>
      %dma_start3A_7 = tpu.memref_slice %arg3[%mul3A_2] : memref<1024xi32, #tpu.memory_space<hbm>> -> memref<32xi32, #tpu.memory_space<hbm>>
      %dma_start3A_8 = tpu.memref_slice %arg3[%mul3A_2] : memref<1024xi32, #tpu.memory_space<hbm>> -> memref<32xi32, #tpu.memory_space<hbm>>
      tpu.enqueue_dma source(%dma_start3A_8 : memref<32xi32, #tpu.memory_space<hbm>>) target(%arg5 : memref<32xi32, #tpu.memory_space<vmem>>) target_semaphore(%run_scoped3A : memref<!tpu.dma_semaphore, #tpu.memory_space<semaphore_mem>>)
      %dma_wait3A_9 = tpu.memref_slice %arg3[%mul3A_2] : memref<1024xi32, #tpu.memory_space<hbm>> -> memref<32xi32, #tpu.memory_space<hbm>>
      %dma_wait3A_10 = tpu.memref_slice %arg3[%mul3A_2] : memref<1024xi32, #tpu.memory_space<hbm>> -> memref<32xi32, #tpu.memory_space<hbm>>
      tpu.wait_dma2 semaphore(%run_scoped3A : memref<!tpu.dma_semaphore, #tpu.memory_space<semaphore_mem>>) src(%dma_wait3A_10 : memref<32xi32, #tpu.memory_space<hbm>>) dst(%arg5 : memref<32xi32, #tpu.memory_space<vmem>>)
      tpu.yield
    }) : () -> ()
    %dma_start3A = arith.constant 0 : i32
    %dma_start3A_3 = arith.constant 0 : i32
    %dma_start3A_4 = tpu.memref_slice %arg2[%dma_start3A, %dma_start3A_3] : memref<50000x128xf32, #tpu.memory_space<hbm>> -> memref<50000x128xf32, #tpu.memory_space<hbm>>
    tpu.enqueue_indirect_dma source(%dma_start3A_4 : memref<50000x128xf32, #tpu.memory_space<hbm>>) target(%arg6 : memref<32x128xf32, #tpu.memory_space<vmem>>) offsets(%arg5 : memref<32xi32, #tpu.memory_space<vmem>>) semaphore(%arg7 : memref<!tpu.dma_semaphore, #tpu.memory_space<semaphore_mem>>)
    %dma_wait3A = arith.constant 0 : i32
    %dma_wait3A_5 = arith.constant 0 : i32
    %dma_wait3A_6 = tpu.memref_slice %arg2[%dma_wait3A, %dma_wait3A_5] : memref<50000x128xf32, #tpu.memory_space<hbm>> -> memref<50000x128xf32, #tpu.memory_space<hbm>>
    tpu.wait_indirect_dma semaphore(%arg7 : memref<!tpu.dma_semaphore, #tpu.memory_space<semaphore_mem>>) src(%dma_wait3A_6 : memref<50000x128xf32, #tpu.memory_space<hbm>>) dst(%arg6 : memref<32x128xf32, #tpu.memory_space<vmem>>)
    "tpu.region"() ({
      %run_scoped3A = tpu.sem_alloc : memref<!tpu.dma_semaphore, #tpu.memory_space<semaphore_mem>>
      %dma_start3A_7 = arith.constant 0 : i32
      %dma_start3A_8 = tpu.memref_slice %arg4[%mul3A_2, %dma_start3A_7] : memref<1024x128xf32, #tpu.memory_space<hbm>> -> memref<32x128xf32, #tpu.memory_space<hbm>>
      %dma_start3A_9 = arith.constant 0 : i32
      %dma_start3A_10 = tpu.memref_slice %arg4[%mul3A_2, %dma_start3A_9] : memref<1024x128xf32, #tpu.memory_space<hbm>> -> memref<32x128xf32, #tpu.memory_space<hbm>>
      tpu.enqueue_dma source(%arg6 : memref<32x128xf32, #tpu.memory_space<vmem>>) target(%dma_start3A_10 : memref<32x128xf32, #tpu.memory_space<hbm>>) target_semaphore(%run_scoped3A : memref<!tpu.dma_semaphore, #tpu.memory_space<semaphore_mem>>)
      %dma_wait3A_11 = arith.constant 0 : i32
      %dma_wait3A_12 = tpu.memref_slice %arg4[%mul3A_2, %dma_wait3A_11] : memref<1024x128xf32, #tpu.memory_space<hbm>> -> memref<32x128xf32, #tpu.memory_space<hbm>>
      %dma_wait3A_13 = arith.constant 0 : i32
      %dma_wait3A_14 = tpu.memref_slice %arg4[%mul3A_2, %dma_wait3A_13] : memref<1024x128xf32, #tpu.memory_space<hbm>> -> memref<32x128xf32, #tpu.memory_space<hbm>>
      tpu.wait_dma2 semaphore(%run_scoped3A : memref<!tpu.dma_semaphore, #tpu.memory_space<semaphore_mem>>) src(%arg6 : memref<32x128xf32, #tpu.memory_space<vmem>>) dst(%dma_wait3A_14 : memref<32x128xf32, #tpu.memory_space<hbm>>)
      tpu.yield
    }) : () -> ()
    return
  }
}

module attributes {stable_mosaic.version = 14 : i64} {
  func.func @_mlp_body(%arg0: memref<1024x512xf32, #tpu.memory_space<vmem>>, %arg1: memref<512x10xf32, #tpu.memory_space<vmem>>, %arg2: memref<20x512xf32, #tpu.memory_space<vmem>>, %arg3: memref<1x512xf32, #tpu.memory_space<vmem>>, %arg4: memref<512x64xf32, #tpu.memory_space<vmem>>, %arg5: memref<1x64xf32, #tpu.memory_space<vmem>>, %arg6: memref<1024x72xbf16, #tpu.memory_space<vmem>>) attributes {dimension_semantics = [], scalar_prefetch = 0 : i64, scratch_operands = 0 : i64, tpu.core_type = #tpu.core_type<tc>} {
    %get3A = arith.constant 0 : index
    %get3A_0 = arith.constant 0 : index
    %get3A_1 = vector.load %arg0[%get3A, %get3A_0] : memref<1024x512xf32, #tpu.memory_space<vmem>>, vector<1024x512xf32>
    %get3A_2 = arith.constant 0 : index
    %get3A_3 = arith.constant 0 : index
    %get3A_4 = vector.load %arg1[%get3A_2, %get3A_3] : memref<512x10xf32, #tpu.memory_space<vmem>>, vector<512x10xf32>
    %dot_general3A = arith.constant dense<0.000000e+00> : vector<1024x10xf32>
    %dot_general3A_5 = tpu.matmul %get3A_1, %get3A_4, %dot_general3A {dimension_numbers = #tpu.dot_dimension_numbers<[1], [0], [0], [1], [0, 0, 1, 1], [], []>, transpose_lhs_hint = false} : vector<1024x512xf32>, vector<512x10xf32>, vector<1024x10xf32> -> vector<1024x10xf32>
    %sin3A = math.sin %dot_general3A_5 : vector<1024x10xf32>
    %cos3A = math.cos %dot_general3A_5 : vector<1024x10xf32>
    %concatenate3A = tpu.concatenate %sin3A, %cos3A in 1 : vector<1024x10xf32>, vector<1024x10xf32> -> vector<1024x20xf32>
    %get3A_6 = arith.constant 0 : index
    %get3A_7 = arith.constant 0 : index
    %get3A_8 = vector.load %arg2[%get3A_6, %get3A_7] : memref<20x512xf32, #tpu.memory_space<vmem>>, vector<20x512xf32>
    %dot_general3A_9 = arith.constant dense<0.000000e+00> : vector<1024x512xf32>
    %dot_general3A_10 = tpu.matmul %concatenate3A, %get3A_8, %dot_general3A_9 {dimension_numbers = #tpu.dot_dimension_numbers<[1], [0], [0], [1], [0, 0, 1, 1], [], []>, transpose_lhs_hint = false} : vector<1024x20xf32>, vector<20x512xf32>, vector<1024x512xf32> -> vector<1024x512xf32>
    %get3A_11 = arith.constant 0 : index
    %get3A_12 = arith.constant 0 : index
    %get3A_13 = vector.load %arg3[%get3A_11, %get3A_12] : memref<1x512xf32, #tpu.memory_space<vmem>>, vector<1x512xf32>
    %add3A = vector.broadcast %get3A_13 : vector<1x512xf32> to vector<1024x512xf32>
    %add3A_14 = arith.addf %dot_general3A_10, %add3A : vector<1024x512xf32>
    %max3A = arith.constant 0.000000e+00 : f32
    %max3A_15 = vector.broadcast %max3A : f32 to vector<1024x512xf32>
    %max3A_16 = arith.maximumf %add3A_14, %max3A_15 : vector<1024x512xf32>
    %get3A_17 = arith.constant 0 : index
    %get3A_18 = arith.constant 0 : index
    %get3A_19 = vector.load %arg4[%get3A_17, %get3A_18] : memref<512x64xf32, #tpu.memory_space<vmem>>, vector<512x64xf32>
    %dot_general3A_20 = arith.constant dense<0.000000e+00> : vector<1024x64xf32>
    %dot_general3A_21 = tpu.matmul %max3A_16, %get3A_19, %dot_general3A_20 {dimension_numbers = #tpu.dot_dimension_numbers<[1], [0], [0], [1], [0, 0, 1, 1], [], []>, transpose_lhs_hint = false} : vector<1024x512xf32>, vector<512x64xf32>, vector<1024x64xf32> -> vector<1024x64xf32>
    %get3A_22 = arith.constant 0 : index
    %get3A_23 = arith.constant 0 : index
    %get3A_24 = vector.load %arg5[%get3A_22, %get3A_23] : memref<1x64xf32, #tpu.memory_space<vmem>>, vector<1x64xf32>
    %add3A_25 = vector.broadcast %get3A_24 : vector<1x64xf32> to vector<1024x64xf32>
    %add3A_26 = arith.addf %dot_general3A_21, %add3A_25 : vector<1024x64xf32>
    %mul3A = arith.mulf %add3A_26, %add3A_26 : vector<1024x64xf32>
    %reduce_sum3A = arith.constant dense<0.000000e+00> : vector<1024xf32>
    %reduce_sum3A_27 = vector.multi_reduction <add>, %mul3A, %reduce_sum3A [1] : vector<1024x64xf32> to vector<1024xf32>
    %broadcast_in_dim3A = vector.shape_cast %reduce_sum3A_27 : vector<1024xf32> to vector<1024x1xf32>
    %sqrt3A = math.sqrt %broadcast_in_dim3A : vector<1024x1xf32>
    %max3A_28 = arith.constant 9.99999993E-9 : f32
    %max3A_29 = vector.broadcast %max3A_28 : f32 to vector<1024x1xf32>
    %max3A_30 = arith.maximumf %sqrt3A, %max3A_29 : vector<1024x1xf32>
    %div3A = vector.broadcast %max3A_30 : vector<1024x1xf32> to vector<1024x64xf32>
    %div3A_31 = arith.divf %add3A_26, %div3A : vector<1024x64xf32>
    %broadcast_in_dim3A_32 = arith.constant 2.000000e+00 : f32
    %broadcast_in_dim3A_33 = vector.broadcast %broadcast_in_dim3A_32 : f32 to vector<1024x1xf32>
    %broadcast_in_dim3A_34 = arith.constant 0.000000e+00 : f32
    %broadcast_in_dim3A_35 = vector.broadcast %broadcast_in_dim3A_34 : f32 to vector<1024x7xf32>
    %concatenate3A_36 = tpu.concatenate %div3A_31, %broadcast_in_dim3A_33, %broadcast_in_dim3A_35 in 1 : vector<1024x64xf32>, vector<1024x1xf32>, vector<1024x7xf32> -> vector<1024x72xf32>
    %convert_element_type3A = arith.truncf %concatenate3A_36 : vector<1024x72xf32> to vector<1024x72xbf16>
    %swap3A = arith.constant 0 : index
    %swap3A_37 = arith.constant 0 : index
    %swap3A_38 = vector.load %arg6[%swap3A, %swap3A_37] : memref<1024x72xbf16, #tpu.memory_space<vmem>>, vector<1024x72xbf16>
    tpu.vector_store %arg6[%swap3A, %swap3A_37], %convert_element_type3A {strides = array<i32>} : memref<1024x72xbf16, #tpu.memory_space<vmem>>, vector<1024x72xbf16>,
    return
  }
}

module attributes {stable_mosaic.version = 14 : i64} {
  func.func @_scan_body(%arg0: i32, %arg1: memref<1024x72xbf16, #tpu.memory_space<vmem>>, %arg2: memref<2000x128xf32, #tpu.memory_space<vmem>>, %arg3: memref<1024x1xi32, #tpu.memory_space<vmem>>, %arg4: memref<1024x1xi32, #tpu.memory_space<vmem>>, %arg5: memref<1024x1xf32, #tpu.memory_space<vmem>>, %arg6: memref<1024x1xi32, #tpu.memory_space<vmem>>, %arg7: memref<1024x1xi32, #tpu.memory_space<vmem>>) attributes {dimension_semantics = [#tpu.dimension_semantics<arbitrary>], iteration_bounds = array<i64: 25>, scalar_prefetch = 0 : i64, scratch_operands = 2 : i64, tpu.core_type = #tpu.core_type<tc>, window_params = [{pipeline_mode = #tpu.pipeline_mode<synchronous>, transform_indices = @transform_0, window_bounds = array<i64: 1024, 72>}, {transform_indices = @transform_1, window_bounds = array<i64: 2000, 128>}, {pipeline_mode = #tpu.pipeline_mode<synchronous>, transform_indices = @transform_2, window_bounds = array<i64: 1024, 1>}, {pipeline_mode = #tpu.pipeline_mode<synchronous>, transform_indices = @transform_3, window_bounds = array<i64: 1024, 1>}, {pipeline_mode = #tpu.pipeline_mode<synchronous>, transform_indices = @transform_4, window_bounds = array<i64: 1024, 1>}]} {
    %get3A = arith.constant 0 : index
    %get3A_0 = arith.constant 0 : index
    %get3A_1 = vector.load %arg2[%get3A, %get3A_0] : memref<2000x128xf32, #tpu.memory_space<vmem>>, vector<2000x128xf32>
    %get3A_2 = arith.constant 0 : index
    %get3A_3 = arith.constant 0 : index
    %get3A_4 = vector.load %arg1[%get3A_2, %get3A_3] : memref<1024x72xbf16, #tpu.memory_space<vmem>>, vector<1024x72xbf16>
    %slice3A = vector.extract_strided_slice %get3A_1 {offsets = [0, 0], sizes = [2000, 64], strides = [1, 1]} : vector<2000x128xf32> to vector<2000x64xf32>
    %mul3A = arith.mulf %slice3A, %slice3A : vector<2000x64xf32>
    %reduce_sum3A = arith.constant dense<0.000000e+00> : vector<2000xf32>
    %reduce_sum3A_5 = vector.multi_reduction <add>, %mul3A, %reduce_sum3A [1] : vector<2000x64xf32> to vector<2000xf32>
    %broadcast_in_dim3A = vector.shape_cast %reduce_sum3A_5 : vector<2000xf32> to vector<2000x1xf32>
    %rsqrt3A = math.rsqrt %broadcast_in_dim3A : vector<2000x1xf32>
    %min3A = arith.constant 1.000000e+08 : f32
    %min3A_6 = vector.broadcast %min3A : f32 to vector<2000x1xf32>
    %min3A_7 = arith.minimumf %rsqrt3A, %min3A_6 : vector<2000x1xf32>
    %mul3A_8 = vector.broadcast %min3A_7 : vector<2000x1xf32> to vector<2000x64xf32>
    %mul3A_9 = arith.mulf %slice3A, %mul3A_8 : vector<2000x64xf32>
    %broadcast_in_dim3A_10 = arith.constant 1.000000e+00 : f32
    %broadcast_in_dim3A_11 = vector.broadcast %broadcast_in_dim3A_10 : f32 to vector<2000x1xf32>
    %broadcast_in_dim3A_12 = arith.constant 0.000000e+00 : f32
    %broadcast_in_dim3A_13 = vector.broadcast %broadcast_in_dim3A_12 : f32 to vector<2000x7xf32>
    %concatenate3A = tpu.concatenate %mul3A_9, %broadcast_in_dim3A_11, %broadcast_in_dim3A_13 in 1 : vector<2000x64xf32>, vector<2000x1xf32>, vector<2000x7xf32> -> vector<2000x72xf32>
    %convert_element_type3A = arith.truncf %concatenate3A : vector<2000x72xf32> to vector<2000x72xbf16>
    %dot_general3A = arith.constant dense<0.000000e+00> : vector<1024x2000xf32>
    %dot_general3A_14 = tpu.matmul %get3A_4, %convert_element_type3A, %dot_general3A {dimension_numbers = #tpu.dot_dimension_numbers<[1], [1], [0], [0], [0, 0, 1, 0], [], []>, transpose_lhs_hint = false} : vector<1024x72xbf16>, vector<2000x72xbf16>, vector<1024x2000xf32> -> vector<1024x2000xf32>
    %slice3A_15 = vector.extract_strided_slice %get3A_1 {offsets = [0, 64], sizes = [2000, 64], strides = [1, 1]} : vector<2000x128xf32> to vector<2000x64xf32>
    %mul3A_16 = arith.mulf %slice3A_15, %slice3A_15 : vector<2000x64xf32>
    %reduce_sum3A_17 = arith.constant dense<0.000000e+00> : vector<2000xf32>
    %reduce_sum3A_18 = vector.multi_reduction <add>, %mul3A_16, %reduce_sum3A_17 [1] : vector<2000x64xf32> to vector<2000xf32>
    %broadcast_in_dim3A_19 = vector.shape_cast %reduce_sum3A_18 : vector<2000xf32> to vector<2000x1xf32>
    %rsqrt3A_20 = math.rsqrt %broadcast_in_dim3A_19 : vector<2000x1xf32>
    %min3A_21 = arith.constant 1.000000e+08 : f32
    %min3A_22 = vector.broadcast %min3A_21 : f32 to vector<2000x1xf32>
    %min3A_23 = arith.minimumf %rsqrt3A_20, %min3A_22 : vector<2000x1xf32>
    %mul3A_24 = vector.broadcast %min3A_23 : vector<2000x1xf32> to vector<2000x64xf32>
    %mul3A_25 = arith.mulf %slice3A_15, %mul3A_24 : vector<2000x64xf32>
    %broadcast_in_dim3A_26 = arith.constant 1.000000e+00 : f32
    %broadcast_in_dim3A_27 = vector.broadcast %broadcast_in_dim3A_26 : f32 to vector<2000x1xf32>
    %broadcast_in_dim3A_28 = arith.constant 0.000000e+00 : f32
    %broadcast_in_dim3A_29 = vector.broadcast %broadcast_in_dim3A_28 : f32 to vector<2000x7xf32>
    %concatenate3A_30 = tpu.concatenate %mul3A_25, %broadcast_in_dim3A_27, %broadcast_in_dim3A_29 in 1 : vector<2000x64xf32>, vector<2000x1xf32>, vector<2000x7xf32> -> vector<2000x72xf32>
    %convert_element_type3A_31 = arith.truncf %concatenate3A_30 : vector<2000x72xf32> to vector<2000x72xbf16>
    %dot_general3A_32 = arith.constant dense<0.000000e+00> : vector<1024x2000xf32>
    %dot_general3A_33 = tpu.matmul %get3A_4, %convert_element_type3A_31, %dot_general3A_32 {dimension_numbers = #tpu.dot_dimension_numbers<[1], [1], [0], [0], [0, 0, 1, 0], [], []>, transpose_lhs_hint = false} : vector<1024x72xbf16>, vector<2000x72xbf16>, vector<1024x2000xf32> -> vector<1024x2000xf32>
    %iota3A = tpu.iota {dimensions = array<i32: 1>} : vector<1x2000xi32>
    %mul3A_34 = arith.constant 2 : i32
    %mul3A_35 = vector.broadcast %mul3A_34 : i32 to vector<1x2000xi32>
    %mul3A_36 = arith.muli %mul3A_35, %iota3A : vector<1x2000xi32>
    %sub3A = arith.constant 3999 : i32
    %sub3A_37 = vector.broadcast %sub3A : i32 to vector<1x2000xi32>
    %sub3A_38 = arith.subi %sub3A_37, %mul3A_36 : vector<1x2000xi32>
    %bitcast_convert_type3A = tpu.bitcast %dot_general3A_14 : vector<1024x2000xf32> -> vector<1024x2000xi32>
    %and3A = arith.constant -4096 : i32
    %and3A_39 = vector.broadcast %and3A : i32 to vector<1024x2000xi32>
    %and3A_40 = arith.andi %bitcast_convert_type3A, %and3A_39 : vector<1024x2000xi32>
    %or3A = vector.broadcast %sub3A_38 : vector<1x2000xi32> to vector<1024x2000xi32>
    %or3A_41 = arith.ori %and3A_40, %or3A : vector<1024x2000xi32>
    %bitcast_convert_type3A_42 = tpu.bitcast %or3A_41 : vector<1024x2000xi32> -> vector<1024x2000xf32>
    %reduce_max3A = arith.constant dense<0xFF800000> : vector<1024xf32>
    %reduce_max3A_43 = vector.multi_reduction <maximumf>, %bitcast_convert_type3A_42, %reduce_max3A [1] : vector<1024x2000xf32> to vector<1024xf32>
    %broadcast_in_dim3A_44 = vector.shape_cast %reduce_max3A_43 : vector<1024xf32> to vector<1024x1xf32>
    %sub3A_45 = arith.constant 3998 : i32
    %sub3A_46 = vector.broadcast %sub3A_45 : i32 to vector<1x2000xi32>
    %sub3A_47 = arith.subi %sub3A_46, %mul3A_36 : vector<1x2000xi32>
    %bitcast_convert_type3A_48 = tpu.bitcast %dot_general3A_33 : vector<1024x2000xf32> -> vector<1024x2000xi32>
    %and3A_49 = arith.constant -4096 : i32
    %and3A_50 = vector.broadcast %and3A_49 : i32 to vector<1024x2000xi32>
    %and3A_51 = arith.andi %bitcast_convert_type3A_48, %and3A_50 : vector<1024x2000xi32>
    %or3A_52 = vector.broadcast %sub3A_47 : vector<1x2000xi32> to vector<1024x2000xi32>
    %or3A_53 = arith.ori %and3A_51, %or3A_52 : vector<1024x2000xi32>
    %bitcast_convert_type3A_54 = tpu.bitcast %or3A_53 : vector<1024x2000xi32> -> vector<1024x2000xf32>
    %reduce_max3A_55 = arith.constant dense<0xFF800000> : vector<1024xf32>
    %reduce_max3A_56 = vector.multi_reduction <maximumf>, %bitcast_convert_type3A_54, %reduce_max3A_55 [1] : vector<1024x2000xf32> to vector<1024xf32>
    %broadcast_in_dim3A_57 = vector.shape_cast %reduce_max3A_56 : vector<1024xf32> to vector<1024x1xf32>
    %max3A = arith.maximumf %broadcast_in_dim3A_44, %broadcast_in_dim3A_57 : vector<1024x1xf32>
    %bitcast_convert_type3A_58 = tpu.bitcast %max3A : vector<1024x1xf32> -> vector<1024x1xi32>
    %and3A_59 = arith.constant 4095 : i32
    %and3A_60 = vector.broadcast %and3A_59 : i32 to vector<1024x1xi32>
    %and3A_61 = arith.andi %bitcast_convert_type3A_58, %and3A_60 : vector<1024x1xi32>
    %sub3A_62 = arith.constant 3999 : i32
    %sub3A_63 = vector.broadcast %sub3A_62 : i32 to vector<1024x1xi32>
    %sub3A_64 = arith.subi %sub3A_63, %and3A_61 : vector<1024x1xi32>
    %mul3A_65 = arith.constant 4000 : i32
    %mul3A_66 = arith.muli %arg0, %mul3A_65 : i32
    %add3A = vector.broadcast %mul3A_66 : i32 to vector<1024x1xi32>
    %add3A_67 = arith.addi %add3A, %sub3A_64 : vector<1024x1xi32>
    %eq3A = arith.constant 0 : i32
    %eq3A_68 = arith.cmpi eq, %arg0, %eq3A : i32
    %convert_element_type3A_69 = arith.extui %eq3A_68 : i1 to i32
    %cond3A = arith.constant 0 : i32
    %cond3A_70 = arith.cmpi ne, %convert_element_type3A_69, %cond3A : i32
    scf.if %cond3A_70 {
      %swap3A = arith.constant 0 : index
      %swap3A_80 = arith.constant 0 : index
      %swap3A_81 = vector.load %arg6[%swap3A, %swap3A_80] : memref<1024x1xi32, #tpu.memory_space<vmem>>, vector<1024x1xi32>
      tpu.vector_store %arg6[%swap3A, %swap3A_80], %bitcast_convert_type3A_58 {strides = array<i32>} : memref<1024x1xi32, #tpu.memory_space<vmem>>, vector<1024x1xi32>,
      %swap3A_82 = arith.constant 0 : index
      %swap3A_83 = arith.constant 0 : index
      %swap3A_84 = vector.load %arg7[%swap3A_82, %swap3A_83] : memref<1024x1xi32, #tpu.memory_space<vmem>>, vector<1024x1xi32>
      tpu.vector_store %arg7[%swap3A_82, %swap3A_83], %add3A_67 {strides = array<i32>} : memref<1024x1xi32, #tpu.memory_space<vmem>>, vector<1024x1xi32>,
    } else {
    }
    %gt3A = arith.constant 0 : i32
    %gt3A_71 = arith.cmpi sgt, %arg0, %gt3A : i32
    %convert_element_type3A_72 = arith.extui %gt3A_71 : i1 to i32
    %cond3A_73 = arith.constant 0 : i32
    %cond3A_74 = arith.cmpi ne, %convert_element_type3A_72, %cond3A_73 : i32
    scf.if %cond3A_74 {
      %get3A_80 = arith.constant 0 : index
      %get3A_81 = arith.constant 0 : index
      %get3A_82 = vector.load %arg6[%get3A_80, %get3A_81] : memref<1024x1xi32, #tpu.memory_space<vmem>>, vector<1024x1xi32>
      %gt3A_83 = arith.cmpi sgt, %bitcast_convert_type3A_58, %get3A_82 : vector<1024x1xi32>
      %get3A_84 = arith.constant 0 : index
      %get3A_85 = arith.constant 0 : index
      %get3A_86 = vector.load %arg6[%get3A_84, %get3A_85] : memref<1024x1xi32, #tpu.memory_space<vmem>>, vector<1024x1xi32>
      %select_n3A = arith.select %gt3A_83, %bitcast_convert_type3A_58, %get3A_86 : vector<1024x1xi1>, vector<1024x1xi32>
      %swap3A = arith.constant 0 : index
      %swap3A_87 = arith.constant 0 : index
      %swap3A_88 = vector.load %arg6[%swap3A, %swap3A_87] : memref<1024x1xi32, #tpu.memory_space<vmem>>, vector<1024x1xi32>
      tpu.vector_store %arg6[%swap3A, %swap3A_87], %select_n3A {strides = array<i32>} : memref<1024x1xi32, #tpu.memory_space<vmem>>, vector<1024x1xi32>,
      %get3A_89 = arith.constant 0 : index
      %get3A_90 = arith.constant 0 : index
      %get3A_91 = vector.load %arg7[%get3A_89, %get3A_90] : memref<1024x1xi32, #tpu.memory_space<vmem>>, vector<1024x1xi32>
      %select_n3A_92 = arith.select %gt3A_83, %add3A_67, %get3A_91 : vector<1024x1xi1>, vector<1024x1xi32>
      %swap3A_93 = arith.constant 0 : index
      %swap3A_94 = arith.constant 0 : index
      %swap3A_95 = vector.load %arg7[%swap3A_93, %swap3A_94] : memref<1024x1xi32, #tpu.memory_space<vmem>>, vector<1024x1xi32>
      tpu.vector_store %arg7[%swap3A_93, %swap3A_94], %select_n3A_92 {strides = array<i32>} : memref<1024x1xi32, #tpu.memory_space<vmem>>, vector<1024x1xi32>,
    } else {
    }
    %eq3A_75 = arith.constant 24 : i32
    %eq3A_76 = arith.cmpi eq, %arg0, %eq3A_75 : i32
    %convert_element_type3A_77 = arith.extui %eq3A_76 : i1 to i32
    %cond3A_78 = arith.constant 0 : i32
    %cond3A_79 = arith.cmpi ne, %convert_element_type3A_77, %cond3A_78 : i32
    scf.if %cond3A_79 {
      %get3A_80 = arith.constant 0 : index
      %get3A_81 = arith.constant 0 : index
      %get3A_82 = vector.load %arg6[%get3A_80, %get3A_81] : memref<1024x1xi32, #tpu.memory_space<vmem>>, vector<1024x1xi32>
      %and3A_83 = arith.constant -4096 : i32
      %and3A_84 = vector.broadcast %and3A_83 : i32 to vector<1024x1xi32>
      %and3A_85 = arith.andi %get3A_82, %and3A_84 : vector<1024x1xi32>
      %bitcast_convert_type3A_86 = tpu.bitcast %and3A_85 : vector<1024x1xi32> -> vector<1024x1xf32>
      %sub3A_87 = arith.constant 2.000000e+00 : f32
      %sub3A_88 = vector.broadcast %sub3A_87 : f32 to vector<1024x1xf32>
      %sub3A_89 = arith.subf %bitcast_convert_type3A_86, %sub3A_88 : vector<1024x1xf32>
      %get3A_90 = arith.constant 0 : index
      %get3A_91 = arith.constant 0 : index
      %get3A_92 = vector.load %arg7[%get3A_90, %get3A_91] : memref<1024x1xi32, #tpu.memory_space<vmem>>, vector<1024x1xi32>
      %swap3A = arith.constant 0 : index
      %swap3A_93 = arith.constant 0 : index
      %swap3A_94 = vector.load %arg3[%swap3A, %swap3A_93] : memref<1024x1xi32, #tpu.memory_space<vmem>>, vector<1024x1xi32>
      tpu.vector_store %arg3[%swap3A, %swap3A_93], %get3A_92 {strides = array<i32>} : memref<1024x1xi32, #tpu.memory_space<vmem>>, vector<1024x1xi32>,
      %get3A_95 = arith.constant 0 : index
      %get3A_96 = arith.constant 0 : index
      %get3A_97 = vector.load %arg7[%get3A_95, %get3A_96] : memref<1024x1xi32, #tpu.memory_space<vmem>>, vector<1024x1xi32>
      %shift_right_arithmetic3A = arith.constant 1 : i32
      %shift_right_arithmetic3A_98 = vector.broadcast %shift_right_arithmetic3A : i32 to vector<1024x1xi32>
      %shift_right_arithmetic3A_99 = arith.shrsi %get3A_97, %shift_right_arithmetic3A_98 : vector<1024x1xi32>
      %swap3A_100 = arith.constant 0 : index
      %swap3A_101 = arith.constant 0 : index
      %swap3A_102 = vector.load %arg4[%swap3A_100, %swap3A_101] : memref<1024x1xi32, #tpu.memory_space<vmem>>, vector<1024x1xi32>
      tpu.vector_store %arg4[%swap3A_100, %swap3A_101], %shift_right_arithmetic3A_99 {strides = array<i32>} : memref<1024x1xi32, #tpu.memory_space<vmem>>, vector<1024x1xi32>,
      %lt3A = arith.constant 0.699999988 : f32
      %lt3A_103 = vector.broadcast %lt3A : f32 to vector<1024x1xf32>
      %lt3A_104 = arith.cmpf olt, %sub3A_89, %lt3A_103 : vector<1024x1xf32>
      %jit3A = arith.constant 0.000000e+00 : f32
      %jit3A_105 = arith.constant 1.000000e+00 : f32
      %broadcast_in_dim3A_106 = vector.broadcast %jit3A : f32 to vector<1024x1xf32>
      %broadcast_in_dim3A_107 = vector.broadcast %jit3A_105 : f32 to vector<1024x1xf32>
      %select_n3A = arith.select %lt3A_104, %broadcast_in_dim3A_106, %broadcast_in_dim3A_107 : vector<1024x1xi1>, vector<1024x1xf32>
      %swap3A_108 = arith.constant 0 : index
      %swap3A_109 = arith.constant 0 : index
      %swap3A_110 = vector.load %arg5[%swap3A_108, %swap3A_109] : memref<1024x1xf32, #tpu.memory_space<vmem>>, vector<1024x1xf32>
      tpu.vector_store %arg5[%swap3A_108, %swap3A_109], %select_n3A {strides = array<i32>} : memref<1024x1xf32, #tpu.memory_space<vmem>>, vector<1024x1xf32>,
    } else {
    }
    return
  }
  func.func @transform_0(%arg0: i32) -> (i32, i32) {
    %c0_i32 = arith.constant 0 : i32
    %c0_i32_0 = arith.constant 0 : i32
    %c0_i32_1 = arith.constant 0 : i32
    return %c0_i32, %c0_i32_0 : i32, i32
  }
  func.func @transform_1(%arg0: i32) -> (i32, i32) {
    %c0_i32 = arith.constant 0 : i32
    %c0_i32_0 = arith.constant 0 : i32
    return %arg0, %c0_i32 : i32, i32
  }
  func.func @transform_2(%arg0: i32) -> (i32, i32) {
    %c0_i32 = arith.constant 0 : i32
    %c0_i32_0 = arith.constant 0 : i32
    %c0_i32_1 = arith.constant 0 : i32
    return %c0_i32, %c0_i32_0 : i32, i32
  }
  func.func @transform_3(%arg0: i32) -> (i32, i32) {
    %c0_i32 = arith.constant 0 : i32
    %c0_i32_0 = arith.constant 0 : i32
    %c0_i32_1 = arith.constant 0 : i32
    return %c0_i32, %c0_i32_0 : i32, i32
  }
  func.func @transform_4(%arg0: i32) -> (i32, i32) {
    %c0_i32 = arith.constant 0 : i32
    %c0_i32_0 = arith.constant 0 : i32
    %c0_i32_1 = arith.constant 0 : i32
    return %c0_i32, %c0_i32_0 : i32, i32
  }
}

module attributes {stable_mosaic.version = 14 : i64} {
  func.func @_epilogue_body(%arg0: memref<1024x128xf32, #tpu.memory_space<vmem>>, %arg1: memref<1024x1xi32, #tpu.memory_space<vmem>>, %arg2: memref<1024x1xf32, #tpu.memory_space<vmem>>, %arg3: memref<1024x64xf32, #tpu.memory_space<vmem>>) attributes {dimension_semantics = [], scalar_prefetch = 0 : i64, scratch_operands = 0 : i64, tpu.core_type = #tpu.core_type<tc>} {
    %get3A = arith.constant 0 : index
    %get3A_0 = arith.constant 0 : index
    %get3A_1 = vector.load %arg1[%get3A, %get3A_0] : memref<1024x1xi32, #tpu.memory_space<vmem>>, vector<1024x1xi32>
    %and3A = arith.constant 1 : i32
    %and3A_2 = vector.broadcast %and3A : i32 to vector<1024x1xi32>
    %and3A_3 = arith.andi %get3A_1, %and3A_2 : vector<1024x1xi32>
    %eq3A = arith.constant 1 : i32
    %eq3A_4 = vector.broadcast %eq3A : i32 to vector<1024x1xi32>
    %eq3A_5 = arith.cmpi eq, %and3A_3, %eq3A_4 : vector<1024x1xi32>
    %get3A_6 = arith.constant 0 : index
    %get3A_7 = arith.constant 64 : index
    %get3A_8 = vector.load %arg0[%get3A_6, %get3A_7] : memref<1024x128xf32, #tpu.memory_space<vmem>>, vector<1024x64xf32>
    %get3A_9 = arith.constant 0 : index
    %get3A_10 = arith.constant 0 : index
    %get3A_11 = vector.load %arg0[%get3A_9, %get3A_10] : memref<1024x128xf32, #tpu.memory_space<vmem>>, vector<1024x64xf32>
    %broadcast_in_dim3A = vector.shape_cast %eq3A_5 : vector<1024x1xi1> to vector<1024x1xi1>
    %broadcast_in_dim3A_12 = vector.broadcast %broadcast_in_dim3A : vector<1024x1xi1> to vector<1024x64xi1>
    %select_n3A = arith.select %broadcast_in_dim3A_12, %get3A_8, %get3A_11 : vector<1024x64xi1>, vector<1024x64xf32>
    %get3A_13 = arith.constant 0 : index
    %get3A_14 = arith.constant 0 : index
    %get3A_15 = vector.load %arg2[%get3A_13, %get3A_14] : memref<1024x1xf32, #tpu.memory_space<vmem>>, vector<1024x1xf32>
    %mul3A = vector.broadcast %get3A_15 : vector<1024x1xf32> to vector<1024x64xf32>
    %mul3A_16 = arith.mulf %select_n3A, %mul3A : vector<1024x64xf32>
    %swap3A = arith.constant 0 : index
    %swap3A_17 = arith.constant 0 : index
    %swap3A_18 = vector.load %arg3[%swap3A, %swap3A_17] : memref<1024x64xf32, #tpu.memory_space<vmem>>, vector<1024x64xf32>
    tpu.vector_store %arg3[%swap3A, %swap3A_17], %mul3A_16 {strides = array<i32>} : memref<1024x64xf32, #tpu.memory_space<vmem>>, vector<1024x64xf32>,
    return
  }
}

</mosaic_0001>

<sc_bundles>
// kernel: kernel.6.cloned.1.call-start
scs
__scs_entry_jumppad:
0x0: {  	(pc) =	sbr.rel $0x88, $3  }
0x1: {  	(tag) =	ssettag $0x0;
	lr =	simm.s32 $0x1  }
0x2: {  	[smem:$0x3F9A] =	sst lr;
	_ =	strace $0xD0000000  }
0x3: {  	_ = 	snop  }
0x4: {  	_ = 	snop  }
0x5: {  	_ = 	snop  }
0x6: {  	_ = 	snop  }
0x7: {  	_ = 	snop  }
__scs_overlays_trampoline_lowered:
0x8: {  	[smem:$0x3FA9] =	sst s0  }
0x9: {  	[smem:$0x3FAA] =	sst s1  }
0xa: {  	[smem:$0x3FAB] =	sst s2  }
0xb: {  	[smem:$0x3FAC] =	sst s3  }
0xc: {  	[smem:$0x3FAD] =	sst s4  }
0xd: {  	[smem:$0x3FAE] =	sst s5  }
0xe: {  	[smem:$0x3FAF] =	sst s6  }
0xf: {  	[smem:$0x3FB0] =	sst s7  }
0x10: {  	[smem:$0x3FB1] =	sst s8  }
0x11: {  	[smem:$0x3FB2] =	sst s9;
	s0 =	simm.s32 @!p0 $0x0  }
0x12: {  	s1 =	sld [smem:$0x3F98];
	s0 =	simm.s32 @p0 $0x1  }
0x13: {  	[smem:$0x3FB3] =	sst s0;
	s0 =	simm.s32 @!p1 $0x0  }
0x14: {  	s2 =	sld [smem:$0x3F97];
	s0 =	simm.s32 @p1 $0x1  }
0x15: {  	[smem:$0x3FB4] =	sst s0;
	s0 =	simm.s32 @!p2 $0x0  }
0x16: {  	s3 =	sld [smem:$0x3FDB];
	s0 =	simm.s32 @p2 $0x1  }
0x17: {  	s4 =	simm.s32 $0x1BF5;
	[smem:$0x3FB6] =	sst s0  }
0x18: {  	s0 =	sld [smem:$0x3F99];
	_ =	swait.ge [sflag:s4], $0x0  }
0x19: {  	s7 =	sld [smem:$0x3F9A]  }
0x1a: {  	s8 =	sadd.s32 $0xFFFFE003, lr  }
0x1b: {  	s9 =	sadd.s32 $0xFFFFFEF7, lr;
	s5 =	simm.s32 $0xFFFFFFFF;
	p2 =	slt.u32 s8, $0xFFFFF086  }
0x1c: {  	p1 =	slt.u32 s9, $0xF7A;
	s5 =	simm.s32 @!p2 $0x0  }
0x1d: {  	s5 =	simm.s32 @p1 $0x1;
	p0 =	seq.s32 s7, s2  }
0x1e: {  	s7 =	smul.u32 @!p0 $0xF7A, s2;
	p2 =	seq.s32 @!p0 s5, $0x0  }
0x1f: {  	s9 =	smul.u32 $0xF7A, s1;
	s8 =	simm.s32 @!p0 $0x1BF5;
	p2 =	por !p2, p0  }
0x20: {  	[sflag:s8] =	ssyncset.s32 @!p0 $0xFFFFF086;
	s6 =	sadd.s32 @!p0 s3, s7;
	s7 =	simm.s32 @!p0 $0x108  }
0x21: {  	s3 =	sadd.s32 s3, s9;
	s6 =	sadd.s32 @!p0 $0x88, s6;
	s7 =	simm.s32 @p2 $0x1082  }
0x22: {  	[simem:s7], [sflag:s8] =	dma.local @!p0 [hbm:s6], $0xF7A  }
0x23: {  	s9 =	sor.u32 $0xD0000000, s2;
	s6 =	simm.s32 $0x108;
	_ =	swait.ge @!p0 [sflag:s8], $0x0  }
0x24: {  	s3 =	sadd.s32 $0x88, s3;
	s6 =	simm.s32 @!p1 $0x1082;
	[sflag:s4] =	ssyncset.s32 $0xFFFFF086  }
0x25: {  	[simem:s6], [sflag:s4] =	dma.local [hbm:s3], $0xF7A  }
0x26: {  	[smem:$0x3F9A] =	sst s1;
	(tag) =	ssettag s2;
	_ =	strace s9  }
0x27: {  	s1 =	sld [smem:$0x3FAA]  }
0x28: {  	s2 =	sld [smem:$0x3FAB]  }
0x29: {  	s4 =	sld [smem:$0x3FAD]  }
0x2a: {  	p0 =	seq.s32 s5, $0x0;
	s5 =	sld [smem:$0x3FAE]  }
0x2b: {  	s6 =	sld [smem:$0x3FAF]  }
0x2c: {  	s7 =	sld [smem:$0x3FB0]  }
0x2d: {  	s3 =	simm.s32 $0x108;
	s8 =	sld [smem:$0x3FB1]  }
0x2e: {  	s3 =	simm.s32 @!p0 $0x1082;
	s9 =	sld [smem:$0x3FB2]  }
0x2f: {  	lr =	sadd.s32 s0, s3;
	s0 =	sld [smem:$0x3FA9]  }
0x30: {  	s3 =	sld [smem:$0x3FAC]  }
0x31: {  	[smem:$0x3FB5] =	sst s10  }
0x32: {  	s10 =	sld [smem:$0x3FB3];
	_ =	sdelay $0x3  }
0x33: {  	p0 =	seq.s32 s10, $0x1;
	s10 =	sld [smem:$0x3FB5];
	_ =	sdelay $0x3  }
0x34: {  	[smem:$0x3FB5] =	sst s10  }
0x35: {  	s10 =	sld [smem:$0x3FB4];
	_ =	sdelay $0x3  }
0x36: {  	p1 =	seq.s32 s10, $0x1;
	s10 =	sld [smem:$0x3FB5];
	_ =	sdelay $0x3  }
0x37: {  	[smem:$0x3FB5] =	sst s10  }
0x38: {  	s10 =	sld [smem:$0x3FB6]  }
0x39: {  	_ = 	snop;
	(pc) =	sbr.ind lr, $3  }
0x3a: {  	_ = 	snop  }
0x3b: {  	_ = 	snop  }
0x3c: {  	p2 =	seq.s32 s10, $0x1;
	s10 =	sld [smem:$0x3FB5]  }
0x3d: {  	_ =	shalt  }
0x3e: {  	_ =	shalt  }
0x3f: {  	_ =	shalt  }
0x40: {  	_ =	shalt  }
0x41: {  	_ =	shalt  }
0x42: {  	_ =	shalt  }
0x43: {  	_ =	shalt  }
0x44: {  	_ =	shalt  }
0x45: {  	_ =	shalt  }
0x46: {  	_ =	shalt  }
0x47: {  	_ =	shalt  }
0x48: {  	_ =	shalt  }
0x49: {  	_ =	shalt  }
0x4a: {  	_ =	shalt  }
0x4b: {  	_ =	shalt  }
0x4c: {  	_ =	shalt  }
0x4d: {  	_ =	shalt  }
0x4e: {  	_ =	shalt  }
0x4f: {  	_ =	shalt  }
0x50: {  	_ =	shalt  }
0x51: {  	_ =	shalt  }
0x52: {  	_ =	shalt  }
0x53: {  	_ =	shalt  }
0x54: {  	_ =	shalt  }
0x55: {  	_ =	shalt  }
0x56: {  	_ =	shalt  }
0x57: {  	_ =	shalt  }
0x58: {  	_ =	shalt  }
0x59: {  	_ =	shalt  }
0x5a: {  	_ =	shalt  }
0x5b: {  	_ =	shalt  }
0x5c: {  	_ =	shalt  }
0x5d: {  	_ =	shalt  }
0x5e: {  	_ =	shalt  }
0x5f: {  	_ =	shalt  }
0x60: {  	_ =	shalt  }
0x61: {  	_ =	shalt  }
0x62: {  	_ =	shalt  }
0x63: {  	_ =	shalt  }
0x64: {  	_ =	shalt  }
0x65: {  	_ =	shalt  }
0x66: {  	_ =	shalt  }
0x67: {  	_ =	shalt  }
0x68: {  	_ =	shalt  }
0x69: {  	_ =	shalt  }
0x6a: {  	_ =	shalt  }
0x6b: {  	_ =	shalt  }
0x6c: {  	_ =	shalt  }
0x6d: {  	_ =	shalt  }
0x6e: {  	_ =	shalt  }
0x6f: {  	_ =	shalt  }
0x70: {  	_ =	shalt  }
0x71: {  	_ =	shalt  }
0x72: {  	_ =	shalt  }
0x73: {  	_ =	shalt  }
0x74: {  	_ =	shalt  }
0x75: {  	_ =	shalt  }
0x76: {  	_ =	shalt  }
0x77: {  	_ =	shalt  }
0x78: {  	_ =	shalt  }
0x79: {  	_ =	shalt  }
0x7a: {  	_ =	shalt  }
0x7b: {  	_ =	shalt  }
0x7c: {  	_ =	shalt  }
0x7d: {  	_ =	shalt  }
0x7e: {  	_ =	shalt  }
0x7f: {  	_ =	shalt  }
0x80: {  	_ =	shalt  }
0x81: {  	_ =	shalt  }
0x82: {  	_ =	shalt  }
0x83: {  	_ =	shalt  }
0x84: {  	_ =	shalt  }
0x85: {  	_ =	shalt  }
0x86: {  	_ =	shalt  }
0x87: {  	_ =	shalt  }
.Lfunc_end0:
.L_simem_size_0:
called_computation_lowered:
.L_overlay_start_0:
0x88: {  	s2 =	sld [smem:$0x3FD9]  }
0x89: {  	s3 =	sld [smem:$0x3FFE];
	_ =	sdelay $0x1  }
0x8a: {  	s1 =	srdreg.scid  }
0x8b: {  	s0 =	sand.u32 $0x1, s1  }
0x8c: {  	s17 =	sshll.u32 s0, $0xA;
	s2 =	sadd.s32 s3, s2  }
0x8d: {  	s2 =	sadd.s32 s2, s17  }
0x8e: {  	[smem:$0x3FC1] =	sst s2  }
0x8f: {  	_ = 	snop  }
0x90: {  	s2 =	sld [smem:$0x3FD0];
	(tm) =	ssettm $0x1  }
0x91: {  	s18 =	sld [smem:$0x3FFB];
	_ =	sdelay $0x3  }
0x92: {  	_ =	strace s18  }
0x93: {  	s3 =	sld [smem:$0x3FFC];
	_ =	sdelay $0x3  }
0x94: {  	_ =	strace s3  }
0x95: {  	s3 =	sld [smem:$0x3FFD];
	_ =	sdelay $0x3  }
0x96: {  	_ =	strace s3  }
0x97: {  	_ =	strace $0x8FFFFFFF  }
0x98: {  	s19 =	sld [smem:$0x3FDB];
	_ =	sdelay $0x1  }
0x99: {  	s4 =	simm.s32 $_scs_section_size  }
0x9a: {  	s5 =	simm.s32 $_size__tile_overlayer_lowered;
	s6 =	simm.s32 $_tile_overlayer_lowered  }
0x9b: {  	s22 =	simm.s32 $0x1BFF;
	s21 =	sshll.u32 s6, $0x1;
	s3 =	sadd.s32 s4, s19  }
0x9c: {  	s7 =	simm.s32 $0x0;
	s20 =	sshll.u32 s5, $0x1;
	s5 =	sadd.s32 s21, s3  }
0x9d: {  	[timem:s7], [sflag:s22] =	dma.local [hbm:s5], s20  }
0x9e: {  	_ =	swait.ge [sflag:s22], s20  }
0x9f: {  	s4 =	ssub.s32 $0x0, s20;
	[sflag:s22] =	ssyncset.done $0x0  }
0xa0: {  	[sflag:s22] =	ssyncadd.s32 s4;
	_ =	sdelay $0x1  }
0xa1: {  	s23 =	simm.s32 $0x1B8B  }
0xa2: {  	_ =	swait.ge [sflag:s23], $0x1  }
0xa3: {  	[sflag:s23] =	ssyncset.done $0x0  }
0xa4: {  	s25 =	simm.s32 $0x1B8E;
	s24 =	sld [smem:$0x3FFE];
	[sflag:s23] =	ssyncadd.s32 $0xFFFFFFFF  }
0xa5: {  	s26 =	simm.s32 $execute0_lowered;
	[smem:$0x3FD2] =	sst s25  }
0xa6: {  	s5 =	sshll.u32 s26, $0x1;
	_ =	strace $0x80000046;
	[dreg:$0x1] =	wrdreg $0xFFFFFFFF  }
0xa7: {  	s28 =	simm.s32 $_size_execute0_lowered;
	s3 =	sadd.s32 s3, s5;
	[dreg:$0x0] =	wrdreg $0x0  }
0xa8: {  	s5 =	sshll.u32 s28, $0x1;
	[dreg:$0x2] =	wrdreg s3  }
0xa9: {  	[dreg:$0x3] =	wrdreg s5  }
0xaa: {  	[dreg:$0x4] =	wrdreg $0xC0  }
0xab: {  	_ =	task [dreg:s7], $0x5FFFF  }
0xac: {  	[dreg:$0x1] =	wrdreg $0xFFFFFFFF  }
0xad: {  	[dreg:$0x0] =	wrdreg $0x60  }
0xae: {  	[dreg:$0x2] =	wrdreg s24  }
0xaf: {  	[dreg:$0x3] =	wrdreg s2  }
0xb0: {  	[dreg:$0x4] =	wrdreg $0x9  }
0xb1: {  	_ =	task.clear_ibuf [dreg:s7], $0x5FFFF;
	_ =	strace $0x90000046  }
0xb2: {  	s29 =	simm.s32 $0x9;
	_ =	strace $0x80000048  }
0xb3: {  	_ =	swait.ge [sflag:s29], $0x1  }
0xb4: {  	[sflag:s29] =	ssyncadd.s32 $0xFFFFFFFF  }
0xb5: {  	_ =	strace $0x90000048  }
0xb6: {  	_ =	sfence  }
0xb7: {  	s30 =	sld [smem:$0x0];
	_ =	sdelay $0x2  }
0xb8: {  	s31 =	sshll.u32 s1, $0xD;
	s1 =	sshrl.u32 s1, $0x2  }
0xb9: {  	s3 =	sand.u32 $0x4000, s31;
	s1 =	sadd.s32 s1, s30  }
0xba: {  	s0 =	sor.u32 s3, s0;
	s1 =	sshll.u32 s1, $0x11  }
0xbb: {  	s0 =	sor.u32 s1, s0  }
0xbc: {  	s0 =	sadd.s32 $0x8F2B, s0  }
0xbd: {  	[sflag:s0] =	ssyncadd.remote.s32 $0x1  }
0xbe: {  	_ =	sfence.sel $0xFFFF  }
0xbf: {  	[dreg:$0x0] =	wrdreg $0xFFFFFFFF;
	(pc) =	sbr.abs _section_cstart, $3  }
0xc0: {  	[dreg:$0x1] =	wrdreg $0xFFFFFFFF  }
0xc1: {  	_ =	task.clear_ibuf [dreg:s7], $0x2FFFF;
	_ =	strace $0x9FFFFFFF  }
0xc2: {  	(tm) =	ssettm $0x7FFFFFFF  }
0xc3: {  	_ =	shalt  }
tec
execute0_lowered:
.L_overlay_start_1:
0x0: {  	(tag) =	ssettag $0x1  }
0x1: {  	s1 =	srdreg.scid;
	s9 =	rddreg [dreg:$0x0]  }
0x2: {  	s0 =	stileid.u32;
	s3 =	rddreg [dreg:$0x1]  }
0x3: {  	s2 =	simm.s32 $0x0;
	s7 =	simm.s32 $0x80;
	s6 =	sand.u32 $0x1, s1  }
0x4: {  	s4 =	sshll.u32 s0, $0x6;
	s1 =	rddreg [dreg:$0x2];
	s5 =	sshll.u32 s6, $0x5  }
0x5: {  	s8 =	simm.s32 $0x1;
	[smem:$0x7FF] =	sst s2;
	s10 =	sor.u32 s5, s4  }
0x6: {  	_ =	strace $0x80000047;
	s11 =	ssub.s32 $0x2, s6;
	s4 =	sshrl.u32 s10, $0x3  }
0x7: {  	s6 =	simm.s32 $0x20;
	s4 =	sadd.s32 s3, s4;
	s3 =	simm.s32 $0x2  }
0x8: {  	[tilespmem:s2], [sflag:$0x2] =	stream.linear.gather [hbm4b:s4+s2], $0x20, $0x38;
	[tilespmem:$0x1080] =	vst v63  }
0x9: {  	s5 =	sadd.s32 $0x187A00, s9;
	s12 =	sshrl.u32 s11, $0x1;
	_ =	swait.ge [sflag:s3], $0x20  }
0xa: {  	s10 =	sshll.u32 s10, $0x4;
	s31 =	ssub.s32 s11, s12;
	[sflag:s3] =	ssyncset.done $0x0  }
0xb: {  	s9 =	sadd.s32 s10, s9;
	s10 =	smax.u32 s31, $0x1;
	[sflag:s3] =	ssyncadd.s32 $0xFFFFFFE0  }
0xc: {  	[tilespmem:s7], [sflag:$0x1] =	stream.indirect.gather [hbm4b:s5+s6], $0x80, s2, s6, $0xb8;
	[tilespmem:$0x1080] =	vst v63  }
0xd: {  	p0 =	sne.s32 s10, $0x1;
	_ =	swait.ge [sflag:s8], $0x1000  }
.Ltmp0:
0xe: {  	[sflag:s8] =	ssyncset.done $0x0;
	(pc) =	sbr.rel @!p0 .LBB2_2-.Ltmp0, $4  }
0xf: {  	s9 =	sadd.s32 $0x1000, s9;
	[sflag:s8] =	ssyncadd.s32 $0xFFFFF000  }
0x10: {  	[hbm4b:s9+s2] =	stream.linear.scatter [tilespmem:s7], [sflag:$0x2], $0x1000, $0x38;
	[tilespmem:$0x1080] =	vst v63  }
0x11: {  	_ =	swait.ge [sflag:s3], $0x1000  }
0x12: {  	s10 =	sadd.s32 $0xFFFFFFFF, s10;
	[sflag:s3] =	ssyncset.done $0x0  }
.LBB2_1:
0x13: {  	p0 =	sne.s32 s10, $0x1;
	s10 =	sadd.s32 $0xFFFFFFFF, s10;
	[sflag:s3] =	ssyncadd.s32 $0xFFFFF000  }
0x14: {  	[tilespmem:s2], [sflag:$0x2] =	stream.linear.gather [hbm4b:s4+s2], $0x20, $0x38;
	[tilespmem:$0x1080] =	vst v63  }
0x15: {  	_ =	swait.ge [sflag:s3], $0x20  }
0x16: {  	[sflag:s3] =	ssyncset.done $0x0  }
0x17: {  	[sflag:s3] =	ssyncadd.s32 $0xFFFFFFE0  }
0x18: {  	[tilespmem:s7], [sflag:$0x1] =	stream.indirect.gather [hbm4b:s5+s6], $0x80, s2, s6, $0xb8;
	[tilespmem:$0x1080] =	vst v63  }
0x19: {  	_ =	swait.ge [sflag:s8], $0x1000  }
.Ltmp1:
0x1a: {  	[sflag:s8] =	ssyncset.done $0x0;
	(pc) =	sbr.rel @p0 .LBB2_1-.Ltmp1, $4  }
0x1b: {  	[sflag:s8] =	ssyncadd.s32 $0xFFFFF000  }
0x1c: {  	[hbm4b:s9+s2] =	stream.linear.scatter [tilespmem:s7], [sflag:$0x2], $0x1000, $0x38;
	[tilespmem:$0x1080] =	vst v63  }
0x1d: {  	_ =	swait.ge [sflag:s3], $0x1000  }
0x1e: {  	[sflag:s3] =	ssyncset.done $0x0  }
.LBB2_2:
0x1f: {  	[sflag:s3] =	ssyncadd.s32 $0xFFFFF000  }
0x20: {  	_ =	sfence.sel $0x180000  }
0x21: {  	[bflag:$0x0] =	sbarrier.arrive $0xFFFF  }
0x22: {  	p0 =	sne.s32 s0, $0x0;
	_ =	strace $0x90000047  }
0x23: {  	s0 =	sadd.s32 @!p0 $0x100000, s1;
	[bflag:$0x2] =	sbarrier.arrive $0xFFFF  }
0x24: {  	[sflag:s0] =	ssyncadd.tile.s32 @!p0 $0x1;
	_ =	shalt  }
.Lfunc_end2:
_tile_overlayer_lowered:
.L_overlay_start_2:
0x25: {  	(tag) =	ssettag $0x2  }
0x26: {  	s0 =	rddreg [dreg:$0x0];
	s2 =	stileid.u32  }
0x27: {  	s1 =	rddreg [dreg:$0x1];
	p0 =	sne.s32 s2, $0x0  }
0x28: {  	s3 =	rddreg [dreg:$0x2];
	[bflag:$0x3] =	sbarrier.arrive $0xFFFF;
	s2 =	simm.s32 @!p0 $0x1C02  }
0x29: {  	[timem:s3], [sflag:s2] =	dma.local @!p0 [hbm:s0], s1  }
0x2a: {  	s0 =	simm.s32 @!p0 $0x2  }
0x2b: {  	_ =	swait.ge @!p0 [sflag:s0], s1  }
0x2c: {  	s1 =	ssub.s32 @!p0 $0x0, s1;
	[sflag:s0] =	ssyncset.done @!p0 $0x0  }
0x2d: {  	[sflag:s0] =	ssyncadd.s32 @!p0 s1  }
0x2e: {  	[bflag:$0x3] =	sbarrier.arrive $0xFFFF  }
0x2f: {  	_ =	shalt  }

</sc_bundles>
